<compile_context>
chip_gen: v7x
topology: tpu7x:2x2x1
jax: 0.10.2.dev20260603
libtpu: 0.0.44.dev20260713+nightly
codegen_flags: <defaults>
</compile_context>

<pallas_src>
import functools

import jax
import jax.numpy as jnp
from jax import lax
from jax.experimental import pallas as pl
from jax.experimental.pallas import tpu as pltpu
from jax.experimental.pallas import tpu_sc as plsc

N_ROWS = 10000
D_FEAT = 128
NUM_CORES = 2
NUM_SUBCORES = 16
NW = NUM_CORES * NUM_SUBCORES
ROWS_W = 312
TAIL = N_ROWS - NW * ROWS_W
TAIL_BASE = NW * ROWS_W

_mesh = plsc.VectorSubcoreMesh(
    core_axis_name="c", subcore_axis_name="s",
    num_cores=NUM_CORES, num_subcores=NUM_SUBCORES)


@functools.partial(
    pl.kernel,
    out_type=jax.ShapeDtypeStruct((N_ROWS, D_FEAT), jnp.float32),
    mesh=_mesh,
    scratch_types=[
        pltpu.VMEM((1, ROWS_W), jnp.int32),
        pltpu.VMEM((ROWS_W, D_FEAT), jnp.float32),
        pltpu.VMEM((1, TAIL), jnp.int32),
        pltpu.VMEM((TAIL, D_FEAT), jnp.float32),
        pltpu.SemaphoreType.DMA,
        pltpu.SemaphoreType.DMA,
    ],
)
def _emb_gather(table_hbm, idx_hbm, out_hbm,
                idx_v, rows_v, tidx_v, trows_v, sem, tsem):
    wid = lax.axis_index("s") * NUM_CORES + lax.axis_index("c")
    base = wid * ROWS_W

    @pl.when(wid == NW - 1)
    def _tail_fire():
        pltpu.sync_copy(idx_hbm.at[pl.ds(TAIL_BASE, TAIL)], tidx_v.at[0])
        pltpu.async_copy(table_hbm.at[tidx_v.at[0]], trows_v, tsem)

    pltpu.sync_copy(idx_hbm.at[pl.ds(base, ROWS_W)], idx_v.at[0])
    pltpu.async_copy(table_hbm.at[idx_v.at[0]], rows_v, sem).wait()

    @pl.when(wid == 0)
    def _zero_row0():
        zeros = jnp.zeros((16,), jnp.float32)
        for t in range(D_FEAT // 16):
            rows_v[0, pl.ds(t * 16, 16)] = zeros

    pltpu.sync_copy(rows_v, out_hbm.at[pl.ds(base, ROWS_W)])

    @pl.when(wid == NW - 1)
    def _tail_drain():
        pltpu.make_async_copy(table_hbm.at[tidx_v.at[0]], trows_v, tsem).wait()
        pltpu.sync_copy(trows_v, out_hbm.at[pl.ds(TAIL_BASE, TAIL)])


def kernel(f_nodes, f_edges, node2edge, edge2node, b2revb, emb_table):
    fn = f_nodes.reshape(-1).astype(jnp.int32)
    return _emb_gather(emb_table, fn)

# --- scband reference (transcript-rebuilt; emitter-appended) ---
"""Pipeline reference for scband-gcnlight-38311108280996 (READ-ONLY COPY).

The authoritative reference and input builder live on the scoring server;
editing this copy changes nothing except your own understanding.
"""

import jax, jax.numpy as jnp
import numpy as np

N_NODES = 10000
N_EDGES = 320000
MAX_NB = 32
D_FEAT = 128
D_EDGE = 16
VOCAB = 1000000
EDGE_INIT_DIM = 16


def setup_inputs(seed: int = 0) -> dict:
    key = jax.random.key(seed)
    k1, k2, k3, k4, k5, k6 = [jax.random.fold_in(key, i) for i in range(6)]
    f_nodes = jax.random.randint(k1, (N_NODES,), 0, VOCAB, dtype=jnp.int64 if jax.config.jax_enable_x64 else jnp.int32)
    f_edges = jax.random.normal(k2, (N_EDGES, D_EDGE), dtype=jnp.float32)
    node2edge = jax.random.randint(k3, (N_NODES, MAX_NB), 0, N_EDGES)
    edge2node = jax.random.randint(k4, (N_EDGES,), 0, N_NODES)
    b2revb = jax.random.randint(k5, (N_EDGES,), 0, N_EDGES)
    # learned parameter: embedding table (nn.Embedding(vocab_size, node_f_dim))
    emb_table = jax.random.normal(k6, (VOCAB, D_FEAT), dtype=jnp.float32)
    return {
        'f_nodes': f_nodes,
        'f_edges': f_edges,
        'node2edge': node2edge,
        'edge2node': edge2node,
        'b2revb': b2revb,
        'emb_table': emb_table,
    }


def reference(f_nodes, f_edges, node2edge, edge2node, b2revb, emb_table):
    # a2a = edge2node[node2edge]  (computed in the torch module but unused past the early return)
    a2a = jnp.take(edge2node, node2edge, axis=0)
    # f_edges = f_edges[:, -edge_init_dim:]  (also dead w.r.t. output)
    fe = f_edges[:, -EDGE_INIT_DIM:]
    fn = f_nodes.reshape(-1)
    # embedding lookup
    n_input = jnp.take(emb_table, fn, axis=0)
    # n_input[0] = 0 (in-place zeroing of the padding row)
    n_input = n_input.at[0].set(0.0)
    return n_input

if __name__ == "__main__":
    import jax
    _d = setup_inputs()
    print(jax.jit(kernel)(*tuple(_d.values())))

</pallas_src>

<mosaic_0001>
#map = affine_map<(d0, d1) -> (0, 0)>
#map1 = affine_map<(d0, d1) -> (0)>
module attributes {stable_mosaic.version = 14 : i64} {
  func.func @_emb_gather(%arg0: i32, %arg1: i32, %arg2: memref<1000000x128xf32, #tpu.memory_space<hbm>>, %arg3: memref<10000xi32, #tpu.memory_space<hbm>>, %arg4: memref<10000x128xf32, #tpu.memory_space<hbm>>, %arg5: memref<1x312xi32, #tpu.memory_space<vmem>>, %arg6: memref<312x128xf32, #tpu.memory_space<vmem>>, %arg7: memref<1x16xi32, #tpu.memory_space<vmem>>, %arg8: memref<16x128xf32, #tpu.memory_space<vmem>>, %arg9: memref<!tpu.dma_semaphore, #tpu.memory_space<semaphore_mem>>, %arg10: memref<!tpu.dma_semaphore, #tpu.memory_space<semaphore_mem>>) attributes {dimension_semantics = [#tpu.dimension_semantics<core_parallel>, #tpu.dimension_semantics<subcore_parallel>], iteration_bounds = array<i64: 2, 16>, scalar_prefetch = 0 : i64, scratch_operands = 6 : i64, tpu.core_type = #tpu.core_type<sc_vector_subcore>, window_params = [{transform_indices = #map}, {transform_indices = #map1}, {transform_indices = #map}]} {
    %mul3A = arith.constant 2 : i32
    %mul3A_0 = arith.muli %arg1, %mul3A : i32
    %add3A = arith.addi %mul3A_0, %arg0 : i32
    %mul3A_1 = arith.constant 312 : i32
    %mul3A_2 = arith.muli %add3A, %mul3A_1 : i32
    %eq3A = arith.constant 31 : i32
    %eq3A_3 = arith.cmpi eq, %add3A, %eq3A : i32
    %convert_element_type3A = arith.extui %eq3A_3 : i1 to i32
    %cond3A = arith.constant 0 : i32
    %cond3A_4 = arith.cmpi ne, %convert_element_type3A, %cond3A : i32
    scf.if %cond3A_4 {
      %run_scoped3A_27 = arith.constant 0 : i32
      "tpu.region"() ({
        %run_scoped3A_35 = tpu.sem_alloc : memref<!tpu.dma_semaphore, #tpu.memory_space<semaphore_mem>>
        %dma_start3A_36 = arith.constant 0 : i32
        %dma_start3A_37 = tpu.memref_slice %arg7[%run_scoped3A_27, %dma_start3A_36] : memref<1x16xi32, #tpu.memory_space<vmem>> -> memref<1x16xi32, #tpu.memory_space<vmem>>
        %dma_start3A_38 = tpu.memref_squeeze %dma_start3A_37 : memref<1x16xi32, #tpu.memory_space<vmem>> -> memref<16xi32, #tpu.memory_space<vmem>>
        %dma_start3A_39 = arith.constant 9984 : i32
        %dma_start3A_40 = tpu.memref_slice %arg3[%dma_start3A_39] : memref<10000xi32, #tpu.memory_space<hbm>> -> memref<16xi32, #tpu.memory_space<hbm>>
        %dma_start3A_41 = arith.constant 0 : i32
        %dma_start3A_42 = tpu.memref_slice %arg7[%run_scoped3A_27, %dma_start3A_41] : memref<1x16xi32, #tpu.memory_space<vmem>> -> memref<1x16xi32, #tpu.memory_space<vmem>>
        %dma_start3A_43 = tpu.memref_squeeze %dma_start3A_42 : memref<1x16xi32, #tpu.memory_space<vmem>> -> memref<16xi32, #tpu.memory_space<vmem>>
        %dma_start3A_44 = arith.constant 9984 : i32
        %dma_start3A_45 = tpu.memref_slice %arg3[%dma_start3A_44] : memref<10000xi32, #tpu.memory_space<hbm>> -> memref<16xi32, #tpu.memory_space<hbm>>
        tpu.enqueue_dma source(%dma_start3A_45 : memref<16xi32, #tpu.memory_space<hbm>>) target(%dma_start3A_43 : memref<16xi32, #tpu.memory_space<vmem>>) target_semaphore(%run_scoped3A_35 : memref<!tpu.dma_semaphore, #tpu.memory_space<semaphore_mem>>)
        %dma_wait3A_46 = arith.constant 0 : i32
        %dma_wait3A_47 = tpu.memref_slice %arg7[%run_scoped3A_27, %dma_wait3A_46] : memref<1x16xi32, #tpu.memory_space<vmem>> -> memref<1x16xi32, #tpu.memory_space<vmem>>
        %dma_wait3A_48 = tpu.memref_squeeze %dma_wait3A_47 : memref<1x16xi32, #tpu.memory_space<vmem>> -> memref<16xi32, #tpu.memory_space<vmem>>
        %dma_wait3A_49 = arith.constant 9984 : i32
        %dma_wait3A_50 = tpu.memref_slice %arg3[%dma_wait3A_49] : memref<10000xi32, #tpu.memory_space<hbm>> -> memref<16xi32, #tpu.memory_space<hbm>>
        %dma_wait3A_51 = arith.constant 0 : i32
        %dma_wait3A_52 = tpu.memref_slice %arg7[%run_scoped3A_27, %dma_wait3A_51] : memref<1x16xi32, #tpu.memory_space<vmem>> -> memref<1x16xi32, #tpu.memory_space<vmem>>
        %dma_wait3A_53 = tpu.memref_squeeze %dma_wait3A_52 : memref<1x16xi32, #tpu.memory_space<vmem>> -> memref<16xi32, #tpu.memory_space<vmem>>
        %dma_wait3A_54 = arith.constant 9984 : i32
        %dma_wait3A_55 = tpu.memref_slice %arg3[%dma_wait3A_54] : memref<10000xi32, #tpu.memory_space<hbm>> -> memref<16xi32, #tpu.memory_space<hbm>>
        tpu.wait_dma2 semaphore(%run_scoped3A_35 : memref<!tpu.dma_semaphore, #tpu.memory_space<semaphore_mem>>) src(%dma_wait3A_55 : memref<16xi32, #tpu.memory_space<hbm>>) dst(%dma_wait3A_53 : memref<16xi32, #tpu.memory_space<vmem>>)
        tpu.yield
      }) : () -> ()
      %dma_start3A_28 = arith.constant 0 : i32
      %dma_start3A_29 = arith.constant 0 : i32
      %dma_start3A_30 = tpu.memref_slice %arg7[%dma_start3A_28, %dma_start3A_29] : memref<1x16xi32, #tpu.memory_space<vmem>> -> memref<1x16xi32, #tpu.memory_space<vmem>>
      %dma_start3A_31 = tpu.memref_squeeze %dma_start3A_30 : memref<1x16xi32, #tpu.memory_space<vmem>> -> memref<16xi32, #tpu.memory_space<vmem>>
      %dma_start3A_32 = arith.constant 0 : i32
      %dma_start3A_33 = arith.constant 0 : i32
      %dma_start3A_34 = tpu.memref_slice %arg2[%dma_start3A_32, %dma_start3A_33] : memref<1000000x128xf32, #tpu.memory_space<hbm>> -> memref<1000000x128xf32, #tpu.memory_space<hbm>>
      tpu.enqueue_indirect_dma source(%dma_start3A_34 : memref<1000000x128xf32, #tpu.memory_space<hbm>>) target(%arg8 : memref<16x128xf32, #tpu.memory_space<vmem>>) offsets(%dma_start3A_31 : memref<16xi32, #tpu.memory_space<vmem>>) semaphore(%arg10 : memref<!tpu.dma_semaphore, #tpu.memory_space<semaphore_mem>>)
    } else {
    }
    %run_scoped3A = arith.constant 0 : i32
    "tpu.region"() ({
      %run_scoped3A_27 = tpu.sem_alloc : memref<!tpu.dma_semaphore, #tpu.memory_space<semaphore_mem>>
      %dma_start3A_28 = arith.constant 0 : i32
      %dma_start3A_29 = tpu.memref_slice %arg5[%run_scoped3A, %dma_start3A_28] : memref<1x312xi32, #tpu.memory_space<vmem>> -> memref<1x312xi32, #tpu.memory_space<vmem>>
      %dma_start3A_30 = tpu.memref_squeeze %dma_start3A_29 : memref<1x312xi32, #tpu.memory_space<vmem>> -> memref<312xi32, #tpu.memory_space<vmem>>
      %dma_start3A_31 = tpu.memref_slice %arg3[%mul3A_2] : memref<10000xi32, #tpu.memory_space<hbm>> -> memref<312xi32, #tpu.memory_space<hbm>>
      %dma_start3A_32 = arith.constant 0 : i32
      %dma_start3A_33 = tpu.memref_slice %arg5[%run_scoped3A, %dma_start3A_32] : memref<1x312xi32, #tpu.memory_space<vmem>> -> memref<1x312xi32, #tpu.memory_space<vmem>>
      %dma_start3A_34 = tpu.memref_squeeze %dma_start3A_33 : memref<1x312xi32, #tpu.memory_space<vmem>> -> memref<312xi32, #tpu.memory_space<vmem>>
      %dma_start3A_35 = tpu.memref_slice %arg3[%mul3A_2] : memref<10000xi32, #tpu.memory_space<hbm>> -> memref<312xi32, #tpu.memory_space<hbm>>
      tpu.enqueue_dma source(%dma_start3A_35 : memref<312xi32, #tpu.memory_space<hbm>>) target(%dma_start3A_34 : memref<312xi32, #tpu.memory_space<vmem>>) target_semaphore(%run_scoped3A_27 : memref<!tpu.dma_semaphore, #tpu.memory_space<semaphore_mem>>)
      %dma_wait3A_36 = arith.constant 0 : i32
      %dma_wait3A_37 = tpu.memref_slice %arg5[%run_scoped3A, %dma_wait3A_36] : memref<1x312xi32, #tpu.memory_space<vmem>> -> memref<1x312xi32, #tpu.memory_space<vmem>>
      %dma_wait3A_38 = tpu.memref_squeeze %dma_wait3A_37 : memref<1x312xi32, #tpu.memory_space<vmem>> -> memref<312xi32, #tpu.memory_space<vmem>>
      %dma_wait3A_39 = tpu.memref_slice %arg3[%mul3A_2] : memref<10000xi32, #tpu.memory_space<hbm>> -> memref<312xi32, #tpu.memory_space<hbm>>
      %dma_wait3A_40 = arith.constant 0 : i32
      %dma_wait3A_41 = tpu.memref_slice %arg5[%run_scoped3A, %dma_wait3A_40] : memref<1x312xi32, #tpu.memory_space<vmem>> -> memref<1x312xi32, #tpu.memory_space<vmem>>
      %dma_wait3A_42 = tpu.memref_squeeze %dma_wait3A_41 : memref<1x312xi32, #tpu.memory_space<vmem>> -> memref<312xi32, #tpu.memory_space<vmem>>
      %dma_wait3A_43 = tpu.memref_slice %arg3[%mul3A_2] : memref<10000xi32, #tpu.memory_space<hbm>> -> memref<312xi32, #tpu.memory_space<hbm>>
      tpu.wait_dma2 semaphore(%run_scoped3A_27 : memref<!tpu.dma_semaphore, #tpu.memory_space<semaphore_mem>>) src(%dma_wait3A_43 : memref<312xi32, #tpu.memory_space<hbm>>) dst(%dma_wait3A_42 : memref<312xi32, #tpu.memory_space<vmem>>)
      tpu.yield
    }) : () -> ()
    %dma_start3A = arith.constant 0 : i32
    %dma_start3A_5 = arith.constant 0 : i32
    %dma_start3A_6 = tpu.memref_slice %arg5[%dma_start3A, %dma_start3A_5] : memref<1x312xi32, #tpu.memory_space<vmem>> -> memref<1x312xi32, #tpu.memory_space<vmem>>
    %dma_start3A_7 = tpu.memref_squeeze %dma_start3A_6 : memref<1x312xi32, #tpu.memory_space<vmem>> -> memref<312xi32, #tpu.memory_space<vmem>>
    %dma_start3A_8 = arith.constant 0 : i32
    %dma_start3A_9 = arith.constant 0 : i32
    %dma_start3A_10 = tpu.memref_slice %arg2[%dma_start3A_8, %dma_start3A_9] : memref<1000000x128xf32, #tpu.memory_space<hbm>> -> memref<1000000x128xf32, #tpu.memory_space<hbm>>
    tpu.enqueue_indirect_dma source(%dma_start3A_10 : memref<1000000x128xf32, #tpu.memory_space<hbm>>) target(%arg6 : memref<312x128xf32, #tpu.memory_space<vmem>>) offsets(%dma_start3A_7 : memref<312xi32, #tpu.memory_space<vmem>>) semaphore(%arg9 : memref<!tpu.dma_semaphore, #tpu.memory_space<semaphore_mem>>)
    %dma_wait3A = arith.constant 0 : i32
    %dma_wait3A_11 = arith.constant 0 : i32
    %dma_wait3A_12 = tpu.memref_slice %arg5[%dma_wait3A, %dma_wait3A_11] : memref<1x312xi32, #tpu.memory_space<vmem>> -> memref<1x312xi32, #tpu.memory_space<vmem>>
    %dma_wait3A_13 = tpu.memref_squeeze %dma_wait3A_12 : memref<1x312xi32, #tpu.memory_space<vmem>> -> memref<312xi32, #tpu.memory_space<vmem>>
    %dma_wait3A_14 = arith.constant 0 : i32
    %dma_wait3A_15 = arith.constant 0 : i32
    %dma_wait3A_16 = tpu.memref_slice %arg2[%dma_wait3A_14, %dma_wait3A_15] : memref<1000000x128xf32, #tpu.memory_space<hbm>> -> memref<1000000x128xf32, #tpu.memory_space<hbm>>
    tpu.wait_indirect_dma semaphore(%arg9 : memref<!tpu.dma_semaphore, #tpu.memory_space<semaphore_mem>>) src(%dma_wait3A_16 : memref<1000000x128xf32, #tpu.memory_space<hbm>>) dst(%arg6 : memref<312x128xf32, #tpu.memory_space<vmem>>)
    %eq3A_17 = arith.constant 0 : i32
    %eq3A_18 = arith.cmpi eq, %add3A, %eq3A_17 : i32
    %convert_element_type3A_19 = arith.extui %eq3A_18 : i1 to i32
    %cond3A_20 = arith.constant 0 : i32
    %cond3A_21 = arith.cmpi ne, %convert_element_type3A_19, %cond3A_20 : i32
    scf.if %cond3A_21 {
      %broadcast_in_dim3A = arith.constant 0.000000e+00 : f32
      %broadcast_in_dim3A_27 = vector.broadcast %broadcast_in_dim3A : f32 to vector<16xf32>
      %swap3A = arith.constant 0 : i32
      %swap3A_28 = arith.index_cast %swap3A : i32 to index
      %swap3A_29 = arith.constant 0 : index
      %swap3A_30 = tpu.vector_load %arg6[%swap3A_28, %swap3A_29] {strides = array<i32>} : memref<312x128xf32, #tpu.memory_space<vmem>>, vector<1x16xf32>,
      %swap3A_31 = vector.shape_cast %swap3A_30 : vector<1x16xf32> to vector<16xf32>
      %swap3A_32 = vector.shape_cast %broadcast_in_dim3A_27 : vector<16xf32> to vector<1x16xf32>
      tpu.vector_store %arg6[%swap3A_28, %swap3A_29], %swap3A_32 {strides = array<i32>} : memref<312x128xf32, #tpu.memory_space<vmem>>, vector<1x16xf32>,
      %swap3A_33 = arith.constant 0 : i32
      %swap3A_34 = arith.index_cast %swap3A_33 : i32 to index
      %swap3A_35 = arith.constant 16 : index
      %swap3A_36 = tpu.vector_load %arg6[%swap3A_34, %swap3A_35] {strides = array<i32>} : memref<312x128xf32, #tpu.memory_space<vmem>>, vector<1x16xf32>,
      %swap3A_37 = vector.shape_cast %swap3A_36 : vector<1x16xf32> to vector<16xf32>
      %swap3A_38 = vector.shape_cast %broadcast_in_dim3A_27 : vector<16xf32> to vector<1x16xf32>
      tpu.vector_store %arg6[%swap3A_34, %swap3A_35], %swap3A_38 {strides = array<i32>} : memref<312x128xf32, #tpu.memory_space<vmem>>, vector<1x16xf32>,
      %swap3A_39 = arith.constant 0 : i32
      %swap3A_40 = arith.index_cast %swap3A_39 : i32 to index
      %swap3A_41 = arith.constant 32 : index
      %swap3A_42 = tpu.vector_load %arg6[%swap3A_40, %swap3A_41] {strides = array<i32>} : memref<312x128xf32, #tpu.memory_space<vmem>>, vector<1x16xf32>,
      %swap3A_43 = vector.shape_cast %swap3A_42 : vector<1x16xf32> to vector<16xf32>
      %swap3A_44 = vector.shape_cast %broadcast_in_dim3A_27 : vector<16xf32> to vector<1x16xf32>
      tpu.vector_store %arg6[%swap3A_40, %swap3A_41], %swap3A_44 {strides = array<i32>} : memref<312x128xf32, #tpu.memory_space<vmem>>, vector<1x16xf32>,
      %swap3A_45 = arith.constant 0 : i32
      %swap3A_46 = arith.index_cast %swap3A_45 : i32 to index
      %swap3A_47 = arith.constant 48 : index
      %swap3A_48 = tpu.vector_load %arg6[%swap3A_46, %swap3A_47] {strides = array<i32>} : memref<312x128xf32, #tpu.memory_space<vmem>>, vector<1x16xf32>,
      %swap3A_49 = vector.shape_cast %swap3A_48 : vector<1x16xf32> to vector<16xf32>
      %swap3A_50 = vector.shape_cast %broadcast_in_dim3A_27 : vector<16xf32> to vector<1x16xf32>
      tpu.vector_store %arg6[%swap3A_46, %swap3A_47], %swap3A_50 {strides = array<i32>} : memref<312x128xf32, #tpu.memory_space<vmem>>, vector<1x16xf32>,
      %swap3A_51 = arith.constant 0 : i32
      %swap3A_52 = arith.index_cast %swap3A_51 : i32 to index
      %swap3A_53 = arith.constant 64 : index
      %swap3A_54 = tpu.vector_load %arg6[%swap3A_52, %swap3A_53] {strides = array<i32>} : memref<312x128xf32, #tpu.memory_space<vmem>>, vector<1x16xf32>,
      %swap3A_55 = vector.shape_cast %swap3A_54 : vector<1x16xf32> to vector<16xf32>
      %swap3A_56 = vector.shape_cast %broadcast_in_dim3A_27 : vector<16xf32> to vector<1x16xf32>
      tpu.vector_store %arg6[%swap3A_52, %swap3A_53], %swap3A_56 {strides = array<i32>} : memref<312x128xf32, #tpu.memory_space<vmem>>, vector<1x16xf32>,
      %swap3A_57 = arith.constant 0 : i32
      %swap3A_58 = arith.index_cast %swap3A_57 : i32 to index
      %swap3A_59 = arith.constant 80 : index
      %swap3A_60 = tpu.vector_load %arg6[%swap3A_58, %swap3A_59] {strides = array<i32>} : memref<312x128xf32, #tpu.memory_space<vmem>>, vector<1x16xf32>,
      %swap3A_61 = vector.shape_cast %swap3A_60 : vector<1x16xf32> to vector<16xf32>
      %swap3A_62 = vector.shape_cast %broadcast_in_dim3A_27 : vector<16xf32> to vector<1x16xf32>
      tpu.vector_store %arg6[%swap3A_58, %swap3A_59], %swap3A_62 {strides = array<i32>} : memref<312x128xf32, #tpu.memory_space<vmem>>, vector<1x16xf32>,
      %swap3A_63 = arith.constant 0 : i32
      %swap3A_64 = arith.index_cast %swap3A_63 : i32 to index
      %swap3A_65 = arith.constant 96 : index
      %swap3A_66 = tpu.vector_load %arg6[%swap3A_64, %swap3A_65] {strides = array<i32>} : memref<312x128xf32, #tpu.memory_space<vmem>>, vector<1x16xf32>,
      %swap3A_67 = vector.shape_cast %swap3A_66 : vector<1x16xf32> to vector<16xf32>
      %swap3A_68 = vector.shape_cast %broadcast_in_dim3A_27 : vector<16xf32> to vector<1x16xf32>
      tpu.vector_store %arg6[%swap3A_64, %swap3A_65], %swap3A_68 {strides = array<i32>} : memref<312x128xf32, #tpu.memory_space<vmem>>, vector<1x16xf32>,
      %swap3A_69 = arith.constant 0 : i32
      %swap3A_70 = arith.index_cast %swap3A_69 : i32 to index
      %swap3A_71 = arith.constant 112 : index
      %swap3A_72 = tpu.vector_load %arg6[%swap3A_70, %swap3A_71] {strides = array<i32>} : memref<312x128xf32, #tpu.memory_space<vmem>>, vector<1x16xf32>,
      %swap3A_73 = vector.shape_cast %swap3A_72 : vector<1x16xf32> to vector<16xf32>
      %swap3A_74 = vector.shape_cast %broadcast_in_dim3A_27 : vector<16xf32> to vector<1x16xf32>
      tpu.vector_store %arg6[%swap3A_70, %swap3A_71], %swap3A_74 {strides = array<i32>} : memref<312x128xf32, #tpu.memory_space<vmem>>, vector<1x16xf32>,
    } else {
    }
    "tpu.region"() ({
      %run_scoped3A_27 = tpu.sem_alloc : memref<!tpu.dma_semaphore, #tpu.memory_space<semaphore_mem>>
      %dma_start3A_28 = arith.constant 0 : i32
      %dma_start3A_29 = tpu.memref_slice %arg4[%mul3A_2, %dma_start3A_28] : memref<10000x128xf32, #tpu.memory_space<hbm>> -> memref<312x128xf32, #tpu.memory_space<hbm>>
      %dma_start3A_30 = arith.constant 0 : i32
      %dma_start3A_31 = tpu.memref_slice %arg4[%mul3A_2, %dma_start3A_30] : memref<10000x128xf32, #tpu.memory_space<hbm>> -> memref<312x128xf32, #tpu.memory_space<hbm>>
      tpu.enqueue_dma source(%arg6 : memref<312x128xf32, #tpu.memory_space<vmem>>) target(%dma_start3A_31 : memref<312x128xf32, #tpu.memory_space<hbm>>) target_semaphore(%run_scoped3A_27 : memref<!tpu.dma_semaphore, #tpu.memory_space<semaphore_mem>>)
      %dma_wait3A_32 = arith.constant 0 : i32
      %dma_wait3A_33 = tpu.memref_slice %arg4[%mul3A_2, %dma_wait3A_32] : memref<10000x128xf32, #tpu.memory_space<hbm>> -> memref<312x128xf32, #tpu.memory_space<hbm>>
      %dma_wait3A_34 = arith.constant 0 : i32
      %dma_wait3A_35 = tpu.memref_slice %arg4[%mul3A_2, %dma_wait3A_34] : memref<10000x128xf32, #tpu.memory_space<hbm>> -> memref<312x128xf32, #tpu.memory_space<hbm>>
      tpu.wait_dma2 semaphore(%run_scoped3A_27 : memref<!tpu.dma_semaphore, #tpu.memory_space<semaphore_mem>>) src(%arg6 : memref<312x128xf32, #tpu.memory_space<vmem>>) dst(%dma_wait3A_35 : memref<312x128xf32, #tpu.memory_space<hbm>>)
      tpu.yield
    }) : () -> ()
    %eq3A_22 = arith.constant 31 : i32
    %eq3A_23 = arith.cmpi eq, %add3A, %eq3A_22 : i32
    %convert_element_type3A_24 = arith.extui %eq3A_23 : i1 to i32
    %cond3A_25 = arith.constant 0 : i32
    %cond3A_26 = arith.cmpi ne, %convert_element_type3A_24, %cond3A_25 : i32
    scf.if %cond3A_26 {
      %dma_wait3A_27 = arith.constant 0 : i32
      %dma_wait3A_28 = arith.constant 0 : i32
      %dma_wait3A_29 = tpu.memref_slice %arg7[%dma_wait3A_27, %dma_wait3A_28] : memref<1x16xi32, #tpu.memory_space<vmem>> -> memref<1x16xi32, #tpu.memory_space<vmem>>
      %dma_wait3A_30 = tpu.memref_squeeze %dma_wait3A_29 : memref<1x16xi32, #tpu.memory_space<vmem>> -> memref<16xi32, #tpu.memory_space<vmem>>
      %dma_wait3A_31 = arith.constant 0 : i32
      %dma_wait3A_32 = arith.constant 0 : i32
      %dma_wait3A_33 = tpu.memref_slice %arg2[%dma_wait3A_31, %dma_wait3A_32] : memref<1000000x128xf32, #tpu.memory_space<hbm>> -> memref<1000000x128xf32, #tpu.memory_space<hbm>>
      tpu.wait_indirect_dma semaphore(%arg10 : memref<!tpu.dma_semaphore, #tpu.memory_space<semaphore_mem>>) src(%dma_wait3A_33 : memref<1000000x128xf32, #tpu.memory_space<hbm>>) dst(%arg8 : memref<16x128xf32, #tpu.memory_space<vmem>>)
      "tpu.region"() ({
        %run_scoped3A_34 = tpu.sem_alloc : memref<!tpu.dma_semaphore, #tpu.memory_space<semaphore_mem>>
        %dma_start3A_35 = arith.constant 9984 : i32
        %dma_start3A_36 = arith.constant 0 : i32
        %dma_start3A_37 = tpu.memref_slice %arg4[%dma_start3A_35, %dma_start3A_36] : memref<10000x128xf32, #tpu.memory_space<hbm>> -> memref<16x128xf32, #tpu.memory_space<hbm>>
        %dma_start3A_38 = arith.constant 9984 : i32
        %dma_start3A_39 = arith.constant 0 : i32
        %dma_start3A_40 = tpu.memref_slice %arg4[%dma_start3A_38, %dma_start3A_39] : memref<10000x128xf32, #tpu.memory_space<hbm>> -> memref<16x128xf32, #tpu.memory_space<hbm>>
        tpu.enqueue_dma source(%arg8 : memref<16x128xf32, #tpu.memory_space<vmem>>) target(%dma_start3A_40 : memref<16x128xf32, #tpu.memory_space<hbm>>) target_semaphore(%run_scoped3A_34 : memref<!tpu.dma_semaphore, #tpu.memory_space<semaphore_mem>>)
        %dma_wait3A_41 = arith.constant 9984 : i32
        %dma_wait3A_42 = arith.constant 0 : i32
        %dma_wait3A_43 = tpu.memref_slice %arg4[%dma_wait3A_41, %dma_wait3A_42] : memref<10000x128xf32, #tpu.memory_space<hbm>> -> memref<16x128xf32, #tpu.memory_space<hbm>>
        %dma_wait3A_44 = arith.constant 9984 : i32
        %dma_wait3A_45 = arith.constant 0 : i32
        %dma_wait3A_46 = tpu.memref_slice %arg4[%dma_wait3A_44, %dma_wait3A_45] : memref<10000x128xf32, #tpu.memory_space<hbm>> -> memref<16x128xf32, #tpu.memory_space<hbm>>
        tpu.wait_dma2 semaphore(%run_scoped3A_34 : memref<!tpu.dma_semaphore, #tpu.memory_space<semaphore_mem>>) src(%arg8 : memref<16x128xf32, #tpu.memory_space<vmem>>) dst(%dma_wait3A_46 : memref<16x128xf32, #tpu.memory_space<hbm>>)
        tpu.yield
      }) : () -> ()
    } else {
    }
    return
  }
}

</mosaic_0001>

<sc_bundles>
// kernel: kernel.3.cloned.1.call-start
scs
__scs_entry_jumppad:
0x0: {  	(pc) =	sbr.rel $0x88, $3  }
0x1: {  	(tag) =	ssettag $0x0;
	lr =	simm.s32 $0x1  }
0x2: {  	[smem:$0x3F9F] =	sst lr;
	_ =	strace $0xD0000000  }
0x3: {  	_ = 	snop  }
0x4: {  	_ = 	snop  }
0x5: {  	_ = 	snop  }
0x6: {  	_ = 	snop  }
0x7: {  	_ = 	snop  }
__scs_overlays_trampoline_lowered:
0x8: {  	[smem:$0x3FAE] =	sst s0  }
0x9: {  	[smem:$0x3FAF] =	sst s1  }
0xa: {  	[smem:$0x3FB0] =	sst s2  }
0xb: {  	[smem:$0x3FB1] =	sst s3  }
0xc: {  	[smem:$0x3FB2] =	sst s4  }
0xd: {  	[smem:$0x3FB3] =	sst s5  }
0xe: {  	[smem:$0x3FB4] =	sst s6  }
0xf: {  	[smem:$0x3FB5] =	sst s7  }
0x10: {  	[smem:$0x3FB6] =	sst s8  }
0x11: {  	[smem:$0x3FB7] =	sst s9;
	s0 =	simm.s32 @!p0 $0x0  }
0x12: {  	s1 =	sld [smem:$0x3F9D];
	s0 =	simm.s32 @p0 $0x1  }
0x13: {  	[smem:$0x3FB8] =	sst s0;
	s0 =	simm.s32 @!p1 $0x0  }
0x14: {  	s2 =	sld [smem:$0x3F9C];
	s0 =	simm.s32 @p1 $0x1  }
0x15: {  	[smem:$0x3FB9] =	sst s0;
	s0 =	simm.s32 @!p2 $0x0  }
0x16: {  	s3 =	sld [smem:$0x3FDB];
	s0 =	simm.s32 @p2 $0x1  }
0x17: {  	s4 =	simm.s32 $0x1BF5;
	[smem:$0x3FBB] =	sst s0  }
0x18: {  	s0 =	sld [smem:$0x3F9E];
	_ =	swait.ge [sflag:s4], $0x0  }
0x19: {  	s7 =	sld [smem:$0x3F9F]  }
0x1a: {  	s8 =	sadd.s32 $0xFFFFE003, lr  }
0x1b: {  	s9 =	sadd.s32 $0xFFFFFEF7, lr;
	s5 =	simm.s32 $0xFFFFFFFF;
	p2 =	slt.u32 s8, $0xFFFFF086  }
0x1c: {  	p1 =	slt.u32 s9, $0xF7A;
	s5 =	simm.s32 @!p2 $0x0  }
0x1d: {  	s5 =	simm.s32 @p1 $0x1;
	p0 =	seq.s32 s7, s2  }
0x1e: {  	s7 =	smul.u32 @!p0 $0xF7A, s2;
	p2 =	seq.s32 @!p0 s5, $0x0  }
0x1f: {  	s9 =	smul.u32 $0xF7A, s1;
	s8 =	simm.s32 @!p0 $0x1BF5;
	p2 =	por !p2, p0  }
0x20: {  	[sflag:s8] =	ssyncset.s32 @!p0 $0xFFFFF086;
	s6 =	sadd.s32 @!p0 s3, s7;
	s7 =	simm.s32 @!p0 $0x108  }
0x21: {  	s3 =	sadd.s32 s3, s9;
	s6 =	sadd.s32 @!p0 $0x88, s6;
	s7 =	simm.s32 @p2 $0x1082  }
0x22: {  	[simem:s7], [sflag:s8] =	dma.local @!p0 [hbm:s6], $0xF7A  }
0x23: {  	s9 =	sor.u32 $0xD0000000, s2;
	s6 =	simm.s32 $0x108;
	_ =	swait.ge @!p0 [sflag:s8], $0x0  }
0x24: {  	s3 =	sadd.s32 $0x88, s3;
	s6 =	simm.s32 @!p1 $0x1082;
	[sflag:s4] =	ssyncset.s32 $0xFFFFF086  }
0x25: {  	[simem:s6], [sflag:s4] =	dma.local [hbm:s3], $0xF7A  }
0x26: {  	[smem:$0x3F9F] =	sst s1;
	(tag) =	ssettag s2;
	_ =	strace s9  }
0x27: {  	s1 =	sld [smem:$0x3FAF]  }
0x28: {  	s2 =	sld [smem:$0x3FB0]  }
0x29: {  	s4 =	sld [smem:$0x3FB2]  }
0x2a: {  	p0 =	seq.s32 s5, $0x0;
	s5 =	sld [smem:$0x3FB3]  }
0x2b: {  	s6 =	sld [smem:$0x3FB4]  }
0x2c: {  	s7 =	sld [smem:$0x3FB5]  }
0x2d: {  	s3 =	simm.s32 $0x108;
	s8 =	sld [smem:$0x3FB6]  }
0x2e: {  	s3 =	simm.s32 @!p0 $0x1082;
	s9 =	sld [smem:$0x3FB7]  }
0x2f: {  	lr =	sadd.s32 s0, s3;
	s0 =	sld [smem:$0x3FAE]  }
0x30: {  	s3 =	sld [smem:$0x3FB1]  }
0x31: {  	[smem:$0x3FBA] =	sst s10  }
0x32: {  	s10 =	sld [smem:$0x3FB8];
	_ =	sdelay $0x3  }
0x33: {  	p0 =	seq.s32 s10, $0x1;
	s10 =	sld [smem:$0x3FBA];
	_ =	sdelay $0x3  }
0x34: {  	[smem:$0x3FBA] =	sst s10  }
0x35: {  	s10 =	sld [smem:$0x3FB9];
	_ =	sdelay $0x3  }
0x36: {  	p1 =	seq.s32 s10, $0x1;
	s10 =	sld [smem:$0x3FBA];
	_ =	sdelay $0x3  }
0x37: {  	[smem:$0x3FBA] =	sst s10  }
0x38: {  	s10 =	sld [smem:$0x3FBB]  }
0x39: {  	_ = 	snop;
	(pc) =	sbr.ind lr, $3  }
0x3a: {  	_ = 	snop  }
0x3b: {  	_ = 	snop  }
0x3c: {  	p2 =	seq.s32 s10, $0x1;
	s10 =	sld [smem:$0x3FBA]  }
0x3d: {  	_ =	shalt  }
0x3e: {  	_ =	shalt  }
0x3f: {  	_ =	shalt  }
0x40: {  	_ =	shalt  }
0x41: {  	_ =	shalt  }
0x42: {  	_ =	shalt  }
0x43: {  	_ =	shalt  }
0x44: {  	_ =	shalt  }
0x45: {  	_ =	shalt  }
0x46: {  	_ =	shalt  }
0x47: {  	_ =	shalt  }
0x48: {  	_ =	shalt  }
0x49: {  	_ =	shalt  }
0x4a: {  	_ =	shalt  }
0x4b: {  	_ =	shalt  }
0x4c: {  	_ =	shalt  }
0x4d: {  	_ =	shalt  }
0x4e: {  	_ =	shalt  }
0x4f: {  	_ =	shalt  }
0x50: {  	_ =	shalt  }
0x51: {  	_ =	shalt  }
0x52: {  	_ =	shalt  }
0x53: {  	_ =	shalt  }
0x54: {  	_ =	shalt  }
0x55: {  	_ =	shalt  }
0x56: {  	_ =	shalt  }
0x57: {  	_ =	shalt  }
0x58: {  	_ =	shalt  }
0x59: {  	_ =	shalt  }
0x5a: {  	_ =	shalt  }
0x5b: {  	_ =	shalt  }
0x5c: {  	_ =	shalt  }
0x5d: {  	_ =	shalt  }
0x5e: {  	_ =	shalt  }
0x5f: {  	_ =	shalt  }
0x60: {  	_ =	shalt  }
0x61: {  	_ =	shalt  }
0x62: {  	_ =	shalt  }
0x63: {  	_ =	shalt  }
0x64: {  	_ =	shalt  }
0x65: {  	_ =	shalt  }
0x66: {  	_ =	shalt  }
0x67: {  	_ =	shalt  }
0x68: {  	_ =	shalt  }
0x69: {  	_ =	shalt  }
0x6a: {  	_ =	shalt  }
0x6b: {  	_ =	shalt  }
0x6c: {  	_ =	shalt  }
0x6d: {  	_ =	shalt  }
0x6e: {  	_ =	shalt  }
0x6f: {  	_ =	shalt  }
0x70: {  	_ =	shalt  }
0x71: {  	_ =	shalt  }
0x72: {  	_ =	shalt  }
0x73: {  	_ =	shalt  }
0x74: {  	_ =	shalt  }
0x75: {  	_ =	shalt  }
0x76: {  	_ =	shalt  }
0x77: {  	_ =	shalt  }
0x78: {  	_ =	shalt  }
0x79: {  	_ =	shalt  }
0x7a: {  	_ =	shalt  }
0x7b: {  	_ =	shalt  }
0x7c: {  	_ =	shalt  }
0x7d: {  	_ =	shalt  }
0x7e: {  	_ =	shalt  }
0x7f: {  	_ =	shalt  }
0x80: {  	_ =	shalt  }
0x81: {  	_ =	shalt  }
0x82: {  	_ =	shalt  }
0x83: {  	_ =	shalt  }
0x84: {  	_ =	shalt  }
0x85: {  	_ =	shalt  }
0x86: {  	_ =	shalt  }
0x87: {  	_ =	shalt  }
.Lfunc_end0:
.L_simem_size_0:
called_computation_lowered:
.L_overlay_start_0:
0x88: {  	s2 =	sld [smem:$0x3FD9]  }
0x89: {  	s3 =	sld [smem:$0x3FFE];
	_ =	sdelay $0x1  }
0x8a: {  	s1 =	srdreg.scid  }
0x8b: {  	s0 =	sand.u32 $0x1, s1  }
0x8c: {  	s18 =	sshll.u32 s0, $0xA;
	s2 =	sadd.s32 s3, s2  }
0x8d: {  	s2 =	sadd.s32 s2, s18  }
0x8e: {  	[smem:$0x3FC6] =	sst s2  }
0x8f: {  	_ = 	snop  }
0x90: {  	s2 =	sld [smem:$0x3FC9]  }
0x91: {  	s19 =	sld [smem:$0x3FC8]  }
0x92: {  	s4 =	sld [smem:$0x3FD0];
	(tm) =	ssettm $0x1  }
0x93: {  	s5 =	sld [smem:$0x3FFB];
	_ =	sdelay $0x3  }
0x94: {  	_ =	strace s5  }
0x95: {  	s5 =	sld [smem:$0x3FFC];
	_ =	sdelay $0x3  }
0x96: {  	_ =	strace s5  }
0x97: {  	s5 =	sld [smem:$0x3FFD];
	_ =	sdelay $0x3  }
0x98: {  	_ =	strace s5  }
0x99: {  	_ =	strace $0x8FFFFFFF  }
0x9a: {  	s20 =	sld [smem:$0x3FDB];
	_ =	sdelay $0x1  }
0x9b: {  	s6 =	simm.s32 $_scs_section_size  }
0x9c: {  	s7 =	simm.s32 $_size__tile_overlayer_lowered;
	s8 =	simm.s32 $_tile_overlayer_lowered  }
0x9d: {  	s23 =	simm.s32 $0x1BFF;
	s22 =	sshll.u32 s8, $0x1;
	s5 =	sadd.s32 s6, s20  }
0x9e: {  	s9 =	simm.s32 $0x0;
	s21 =	sshll.u32 s7, $0x1;
	s7 =	sadd.s32 s22, s5  }
0x9f: {  	[timem:s9], [sflag:s23] =	dma.local [hbm:s7], s21  }
0xa0: {  	_ =	swait.ge [sflag:s23], s21  }
0xa1: {  	s6 =	ssub.s32 $0x0, s21;
	[sflag:s23] =	ssyncset.done $0x0  }
0xa2: {  	[sflag:s23] =	ssyncadd.s32 s6;
	_ =	sdelay $0x1  }
0xa3: {  	s24 =	simm.s32 $0x1B8B  }
0xa4: {  	_ =	swait.ge [sflag:s24], $0x1  }
0xa5: {  	[sflag:s24] =	ssyncset.done $0x0  }
0xa6: {  	s25 =	simm.s32 $0x1B8E;
	[sflag:s24] =	ssyncadd.s32 $0xFFFFFFFF  }
0xa7: {  	s26 =	simm.s32 $execute0_lowered;
	[smem:$0x3FD2] =	sst s25  }
0xa8: {  	s6 =	sshll.u32 s26, $0x1;
	_ =	strace $0x80000046;
	[dreg:$0x1] =	wrdreg $0xFFFFFFFF  }
0xa9: {  	s28 =	simm.s32 $_size_execute0_lowered;
	s5 =	sadd.s32 s5, s6;
	[dreg:$0x0] =	wrdreg $0x0  }
0xaa: {  	s6 =	sshll.u32 s28, $0x1;
	[dreg:$0x2] =	wrdreg s5  }
0xab: {  	[dreg:$0x3] =	wrdreg s6  }
0xac: {  	[dreg:$0x4] =	wrdreg $0xC0  }
0xad: {  	_ =	task [dreg:s9], $0x5FFFF  }
0xae: {  	[dreg:$0x1] =	wrdreg $0xFFFFFFFF  }
0xaf: {  	[dreg:$0x0] =	wrdreg $0x60  }
0xb0: {  	[dreg:$0x2] =	wrdreg s19  }
0xb1: {  	[dreg:$0x3] =	wrdreg s2  }
0xb2: {  	[dreg:$0x4] =	wrdreg s4  }
0xb3: {  	[dreg:$0x5] =	wrdreg $0x9  }
0xb4: {  	_ =	task.clear_ibuf [dreg:s9], $0x6FFFF;
	_ =	strace $0x90000046  }
0xb5: {  	s29 =	simm.s32 $0x9;
	_ =	strace $0x80000048  }
0xb6: {  	_ =	swait.ge [sflag:s29], $0x1  }
0xb7: {  	[sflag:s29] =	ssyncadd.s32 $0xFFFFFFFF  }
0xb8: {  	_ =	strace $0x90000048  }
0xb9: {  	_ =	sfence  }
0xba: {  	s30 =	sld [smem:$0x0];
	_ =	sdelay $0x2  }
0xbb: {  	s31 =	sshll.u32 s1, $0xD;
	s1 =	sshrl.u32 s1, $0x2  }
0xbc: {  	s3 =	sand.u32 $0x4000, s31;
	s1 =	sadd.s32 s1, s30  }
0xbd: {  	s0 =	sor.u32 s3, s0;
	s1 =	sshll.u32 s1, $0x11  }
0xbe: {  	s0 =	sor.u32 s1, s0  }
0xbf: {  	s0 =	sadd.s32 $0x8F2B, s0  }
0xc0: {  	[sflag:s0] =	ssyncadd.remote.s32 $0x1  }
0xc1: {  	_ =	sfence.sel $0xFFFF  }
0xc2: {  	[dreg:$0x0] =	wrdreg $0xFFFFFFFF;
	(pc) =	sbr.abs _section_cstart, $3  }
0xc3: {  	[dreg:$0x1] =	wrdreg $0xFFFFFFFF  }
0xc4: {  	_ =	task.clear_ibuf [dreg:s9], $0x2FFFF;
	_ =	strace $0x9FFFFFFF  }
0xc5: {  	(tm) =	ssettm $0x7FFFFFFF  }
tec
execute0_lowered:
.L_overlay_start_1:
0x0: {  	(tag) =	ssettag $0x1  }
0x1: {  	s2 =	rddreg [dreg:$0x0]  }
0x2: {  	s9 =	rddreg [dreg:$0x1]  }
0x3: {  	s15 =	rddreg [dreg:$0x2]  }
0x4: {  	s0 =	rddreg [dreg:$0x3]  }
0x5: {  	s3 =	srdreg.scid;
	s1 =	stileid.u32  }
0x6: {  	s4 =	simm.s32 $0x0;
	s16 =	sand.u32 $0x1, s3;
	s31 =	sshll.u32 s1, $0x1  }
0x7: {  	[smem:$0x7FF] =	sst s4;
	s17 =	sor.u32 s16, s31  }
0x8: {  	s5 =	sadd.s32 $0x4E0, s9;
	_ =	strace $0x80000047;
	p0 =	sne.s32 s17, $0x1F  }
0x9: {  	s7 =	simm.s32 @!p0 $0x3;
	s3 =	simm.s32 @!p0 $0x0;
	s8 =	simm.s32 @!p0 $0x9D80  }
0xa: {  	[tilespmem:s8], [sflag:$0x3] =	stream.linear.gather @!p0 [hbm4b:s5+s3], $0x10, $0x38;
	[tilespmem:$0xA600] =	vst v63  }
0xb: {  	_ =	swait.ge @!p0 [sflag:s7], $0x10  }
0xc: {  	s11 =	smul.u32 $0x27, s17;
	[sflag:s7] =	ssyncset.done @!p0 $0x0  }
0xd: {  	s10 =	simm.s32 @!p0 $0x10;
	s6 =	simm.s32 @!p0 $0x9E00;
	[sflag:s7] =	ssyncadd.s32 @!p0 $0xFFFFFFF0  }
0xe: {  	[tilespmem:s6], [sflag:$0x2] =	stream.indirect.gather @!p0 [hbm4b:s2+s10], $0x80, s8, s10, $0xb8;
	[tilespmem:$0xA600] =	vst v63  }
0xf: {  	s11 =	sadd.s32 s9, s11;
	s9 =	simm.s32 $0x3  }
0x10: {  	[tilespmem:s4], [sflag:$0x3] =	stream.linear.gather [hbm4b:s11+s4], $0x138, $0x38;
	[tilespmem:$0xA600] =	vst v63  }
0x11: {  	_ =	swait.ge [sflag:s9], $0x138  }
0x12: {  	s12 =	simm.s32 $0x138;
	[sflag:s9] =	ssyncset.done $0x0  }
0x13: {  	s13 =	simm.s32 $0x180;
	s14 =	simm.s32 $0x1;
	[sflag:s9] =	ssyncadd.s32 $0xFFFFFEC8  }
0x14: {  	[tilespmem:s13], [sflag:$0x1] =	stream.indirect.gather [hbm4b:s2+s12], $0x80, s4, s12, $0xb8;
	[tilespmem:$0xA600] =	vst v63  }
0x15: {  	_ =	swait.ge [sflag:s14], $0x9C00  }
0x16: {  	p1 =	sne.s32 s17, $0x0;
	[sflag:s14] =	ssyncset.done $0x0  }
0x17: {  	v0 =	vimm.f32 @!p1 $0.0e+00;
	[sflag:s14] =	ssyncadd.s32 $0xFFFF6400  }
0x18: {  	s16 =	ssub.s32 $0x2, s16;
	[tilespmem:$0x1F0] =	vst @!p1 v0  }
0x19: {  	s18 =	sshrl.u32 s16, $0x1;
	[tilespmem:$0x1E0] =	vst @!p1 v0  }
0x1a: {  	s16 =	ssub.s32 s16, s18;
	[tilespmem:$0x1D0] =	vst @!p1 v0  }
0x1b: {  	s16 =	smax.u32 s16, $0x1;
	[tilespmem:$0x1C0] =	vst @!p1 v0  }
0x1c: {  	s18 =	sadd.s32 $0xFFFFFFFF, s16;
	[tilespmem:$0x1B0] =	vst @!p1 v0  }
0x1d: {  	s17 =	smul.u32 $0x1380, s17;
	p2 =	sne.s32 s18, $0x0;
	[tilespmem:$0x1A0] =	vst @!p1 v0  }
.Ltmp0:
0x1e: {  	[tilespmem:$0x190] =	vst @!p1 v0;
	(pc) =	sbr.rel @!p2 .LBB2_1-.Ltmp0, $4  }
0x1f: {  	s17 =	sadd.s32 s15, s17;
	[tilespmem:$0x180] =	vst @!p1 v0  }
0x20: {  	[hbm4b:s17+s4] =	stream.linear.scatter [tilespmem:s13], [sflag:$0x3], $0x9C00, $0x38;
	[tilespmem:$0xA600] =	vst v63  }
0x21: {  	s19 =	simm.s32 @!p0 $0x3;
	_ =	swait.ge [sflag:s9], $0x9C00  }
0x22: {  	s15 =	sadd.s32 $0x27000, s15;
	s16 =	simm.s32 @!p0 $0x2;
	[sflag:s9] =	ssyncset.done $0x0  }
.LBB2_2:
0x23: {  	s18 =	sadd.s32 $0xFFFFFFFF, s18;
	[sflag:s9] =	ssyncadd.s32 $0xFFFF6400  }
0x24: {  	p2 =	sne.s32 s18, $0x0;
	_ =	swait.ge @!p0 [sflag:s16], $0x800  }
0x25: {  	[sflag:s16] =	ssyncset.done @!p0 $0x0  }
0x26: {  	[sflag:s16] =	ssyncadd.s32 @!p0 $0xFFFFF800  }
0x27: {  	[hbm4b:s15+s3] =	stream.linear.scatter @!p0 [tilespmem:s6], [sflag:$0x3], $0x800, $0x38;
	[tilespmem:$0xA600] =	vst v63  }
0x28: {  	_ =	swait.ge @!p0 [sflag:s19], $0x800  }
0x29: {  	[sflag:s19] =	ssyncset.done @!p0 $0x0  }
0x2a: {  	[sflag:s19] =	ssyncadd.s32 @!p0 $0xFFFFF800  }
0x2b: {  	[tilespmem:s8], [sflag:$0x3] =	stream.linear.gather @!p0 [hbm4b:s5+s3], $0x10, $0x38;
	[tilespmem:$0xA600] =	vst v63  }
0x2c: {  	s19 =	smov.u32 s7;
	_ =	swait.ge @!p0 [sflag:s7], $0x10  }
0x2d: {  	[sflag:s19] =	ssyncset.done @!p0 $0x0  }
0x2e: {  	[sflag:s19] =	ssyncadd.s32 @!p0 $0xFFFFFFF0  }
0x2f: {  	[tilespmem:s6], [sflag:$0x2] =	stream.indirect.gather @!p0 [hbm4b:s2+s10], $0x80, s8, s10, $0xb8;
	[tilespmem:$0xA600] =	vst v63  }
0x30: {  	_ = 	snop  }
0x31: {  	[tilespmem:s4], [sflag:$0x3] =	stream.linear.gather [hbm4b:s11+s4], $0x138, $0x38;
	[tilespmem:$0xA600] =	vst v63  }
0x32: {  	_ =	swait.ge [sflag:s9], $0x138  }
0x33: {  	[sflag:s9] =	ssyncset.done $0x0  }
0x34: {  	[sflag:s9] =	ssyncadd.s32 $0xFFFFFEC8  }
0x35: {  	[tilespmem:s13], [sflag:$0x1] =	stream.indirect.gather [hbm4b:s2+s12], $0x80, s4, s12, $0xb8;
	[tilespmem:$0xA600] =	vst v63  }
0x36: {  	_ =	swait.ge [sflag:s14], $0x9C00  }
0x37: {  	[sflag:s14] =	ssyncset.done $0x0  }
0x38: {  	[sflag:s14] =	ssyncadd.s32 $0xFFFF6400  }
0x39: {  	[tilespmem:$0x1F0] =	vst @!p1 v0  }
0x3a: {  	[tilespmem:$0x1E0] =	vst @!p1 v0  }
0x3b: {  	[tilespmem:$0x1D0] =	vst @!p1 v0  }
0x3c: {  	[tilespmem:$0x1C0] =	vst @!p1 v0  }
0x3d: {  	[tilespmem:$0x1B0] =	vst @!p1 v0  }
0x3e: {  	[tilespmem:$0x1A0] =	vst @!p1 v0  }
.Ltmp1:
0x3f: {  	[tilespmem:$0x190] =	vst @!p1 v0;
	(pc) =	sbr.rel @p2 .LBB2_2-.Ltmp1, $4  }
0x40: {  	[tilespmem:$0x180] =	vst @!p1 v0  }
0x41: {  	[hbm4b:s17+s4] =	stream.linear.scatter [tilespmem:s13], [sflag:$0x3], $0x9C00, $0x38;
	[tilespmem:$0xA600] =	vst v63  }
0x42: {  	_ =	swait.ge [sflag:s9], $0x9C00  }
0x43: {  	[sflag:s9] =	ssyncset.done $0x0  }
.LBB2_3:
0x44: {  	[sflag:s9] =	ssyncadd.s32 $0xFFFF6400  }
0x45: {  	_ =	swait.ge @!p0 [sflag:s16], $0x800  }
0x46: {  	[sflag:s16] =	ssyncset.done @!p0 $0x0  }
0x47: {  	[sflag:s16] =	ssyncadd.s32 @!p0 $0xFFFFF800  }
0x48: {  	[hbm4b:s15+s3] =	stream.linear.scatter @!p0 [tilespmem:s6], [sflag:$0x3], $0x800, $0x38;
	[tilespmem:$0xA600] =	vst v63  }
0x49: {  	_ =	swait.ge @!p0 [sflag:s19], $0x800  }
0x4a: {  	[sflag:s19] =	ssyncset.done @!p0 $0x0  }
0x4b: {  	[sflag:s19] =	ssyncadd.s32 @!p0 $0xFFFFF800  }
0x4c: {  	_ =	sfence.sel $0x180000  }
0x4d: {  	[bflag:$0x0] =	sbarrier.arrive $0xFFFF  }
0x4e: {  	p0 =	sne.s32 s1, $0x0;
	_ =	strace $0x90000047  }
0x4f: {  	s0 =	sadd.s32 @!p0 $0x100000, s0;
	[bflag:$0x2] =	sbarrier.arrive $0xFFFF  }
0x50: {  	[sflag:s0] =	ssyncadd.tile.s32 @!p0 $0x1;
	_ =	shalt  }
.LBB2_1:
.Ltmp2:
0x51: {  	(pc) =	sbr.rel .LBB2_3-.Ltmp2, $2  }
0x52: {  	_ =	sdelay $0x2  }
0x53: {  	s19 =	simm.s32 @!p0 $0x3  }
.Lfunc_end2:
_tile_overlayer_lowered:
.L_overlay_start_2:
0x54: {  	(tag) =	ssettag $0x2  }
0x55: {  	s0 =	rddreg [dreg:$0x0];
	s2 =	stileid.u32  }
0x56: {  	s1 =	rddreg [dreg:$0x1];
	p0 =	sne.s32 s2, $0x0  }
0x57: {  	s3 =	rddreg [dreg:$0x2];
	[bflag:$0x3] =	sbarrier.arrive $0xFFFF;
	s2 =	simm.s32 @!p0 $0x1C03  }
0x58: {  	[timem:s3], [sflag:s2] =	dma.local @!p0 [hbm:s0], s1  }
0x59: {  	s0 =	simm.s32 @!p0 $0x3  }
0x5a: {  	_ =	swait.ge @!p0 [sflag:s0], s1  }
0x5b: {  	s1 =	ssub.s32 @!p0 $0x0, s1;
	[sflag:s0] =	ssyncset.done @!p0 $0x0  }
0x5c: {  	[sflag:s0] =	ssyncadd.s32 @!p0 s1  }
0x5d: {  	[bflag:$0x3] =	sbarrier.arrive $0xFFFF  }
0x5e: {  	_ =	shalt  }

</sc_bundles>
